<compile_context>
chip_gen: v7x
topology: tpu7x:2x2x1
jax: 0.10.2.dev20260603
libtpu: 0.0.44.dev20260713+nightly
codegen_flags: <defaults>
</compile_context>

<pallas_src>
import functools

import jax
import jax.numpy as jnp
from jax import lax
from jax.experimental import pallas as pl
from jax.experimental.pallas import tpu as pltpu
from jax.experimental.pallas import tpu_sc as plsc

N_ATOMS = 160000
N_BASIS = 256
NUM_SEGMENTS = 10000

NUM_WORKERS = 32
CHUNK = N_ATOMS // NUM_WORKERS
LANES = 16
CHUNK_VECS = (CHUNK + LANES - 1) // LANES
SEG_VECS = NUM_SEGMENTS // LANES


def _mv_body(mv_rows, w_ref, b_ref, x_ref, y_ref):
    i = pl.program_id(0)
    y = lax.dot_general(
        w_ref[...], x_ref[...], (((1,), (1,)), ((), ())),
        preferred_element_type=jnp.float32,
    )
    y_ref[pl.ds(i * mv_rows, mv_rows)] = (y + b_ref[...]).reshape(mv_rows)


def _matvec(x, w_row, b11, mv_rows):
    blocks = N_ATOMS // mv_rows
    return pl.pallas_call(
        functools.partial(_mv_body, mv_rows),
        grid=(blocks,),
        in_specs=[
            pl.BlockSpec((1, N_BASIS), lambda i: (0, 0)),
            pl.BlockSpec((1, 1), lambda i: (0, 0)),
            pl.BlockSpec((mv_rows, N_BASIS), lambda i: (i, 0)),
        ],
        out_specs=pl.BlockSpec((N_ATOMS,), lambda i: (0,)),
        out_shape=jax.ShapeDtypeStruct((N_ATOMS,), jnp.float32),
    )(w_row, b11, x)


def _seg_body(y_hbm, ids_hbm, out_hbm, ids_v, y_v, acc_v):
    c = lax.axis_index("c")
    s = lax.axis_index("s")
    wid = c * 16 + s
    base = wid * CHUNK

    pltpu.sync_copy(ids_hbm.at[pl.ds(base, CHUNK)], ids_v.at[pl.ds(0, CHUNK)])
    pltpu.sync_copy(y_hbm.at[pl.ds(base, CHUNK)], y_v.at[pl.ds(0, CHUNK)])

    def zero_body(j, carry):
        acc_v[pl.ds(j * LANES, LANES)] = jnp.zeros((LANES,), jnp.float32)
        return carry

    lax.fori_loop(0, SEG_VECS, zero_body, 0)

    def add_body(i, carry):
        off = i * LANES
        idx = ids_v[pl.ds(off, LANES)]
        val = y_v[pl.ds(off, LANES)]
        mask = (off + lax.iota(jnp.int32, LANES)) < CHUNK
        plsc.addupdate_scatter(acc_v, [idx], val, mask=mask)
        return carry

    lax.fori_loop(0, CHUNK_VECS, add_body, 0)

    pltpu.sync_copy(acc_v, out_hbm.at[wid])


def _segment_partials(y_flat, ids):
    pad = CHUNK_VECS * LANES
    seg = functools.partial(
        pl.kernel,
        out_type=jax.ShapeDtypeStruct((NUM_WORKERS, NUM_SEGMENTS), jnp.float32),
        mesh=plsc.VectorSubcoreMesh(core_axis_name="c", subcore_axis_name="s"),
        compiler_params=pltpu.CompilerParams(needs_layout_passes=False),
        scratch_types=[
            pltpu.VMEM((pad,), jnp.int32),
            pltpu.VMEM((pad,), jnp.float32),
            pltpu.VMEM((NUM_SEGMENTS,), jnp.float32),
        ],
    )(_seg_body)
    return seg(y_flat, ids)


def _red_body(p_ref, o_ref):
    o_ref[...] = jnp.sum(p_ref[...], axis=0, keepdims=True)


def _reduce_partials(partials):
    return pl.pallas_call(
        _red_body,
        out_shape=jax.ShapeDtypeStruct((1, NUM_SEGMENTS), jnp.float32),
    )(partials)


def kernel(x, atomic_subsystem_indices, W, b):
    ids = atomic_subsystem_indices.astype(jnp.int32)
    w_row = W.reshape(1, N_BASIS)
    b11 = b.reshape(1, 1)
    y = _matvec(x, w_row, b11, 16000)
    partials = _segment_partials(y, ids)
    out = _reduce_partials(partials)
    return out.reshape(NUM_SEGMENTS, 1)

# --- scband reference (transcript-rebuilt; emitter-appended) ---
"""Pipeline reference for scband-energy-readout-76192719831223 (READ-ONLY COPY).

The authoritative reference and input builder live on the scoring server;
editing this copy changes nothing except your own understanding.
"""

import jax, jax.numpy as jnp
import numpy as np

NUM_SEGMENTS = 10000
N_ATOMS = 160000
N_BASIS = 256

def setup_inputs(seed: int = 0) -> dict:
    key = jax.random.key(seed)
    k1, k2, k3, k4 = jax.random.split(key, 4)
    x = jax.random.normal(k1, (N_ATOMS, N_BASIS), dtype=jnp.float32)
    atomic_subsystem_indices = jnp.sort(jax.random.randint(k2, (N_ATOMS,), 0, NUM_SEGMENTS, dtype=jnp.int64))
    # nn.Linear(n_atom_basis, 1): weight [1, n_atom_basis], bias [1]
    W = jax.random.normal(k3, (N_BASIS, 1), dtype=jnp.float32) * (1.0 / np.sqrt(N_BASIS))
    b = jax.random.normal(k4, (1,), dtype=jnp.float32) * 0.05
    return {"x": x, "atomic_subsystem_indices": atomic_subsystem_indices, "W": W, "b": b}

def reference(x, atomic_subsystem_indices, W, b):
    # energy_layer: Linear(n_atom_basis -> 1)
    y = x @ W + b  # [N_ATOMS, 1]
    # torch_scatter.scatter_add(y.t(), idx, dim=1).t() == segment-sum over rows
    result = jax.ops.segment_sum(y, atomic_subsystem_indices, num_segments=NUM_SEGMENTS)  # [NUM_SEGMENTS, 1]
    total_energy_per_molecule = jnp.sum(result, axis=1, keepdims=True)  # [NUM_SEGMENTS, 1]
    return total_energy_per_molecule

if __name__ == "__main__":
    import jax
    _d = setup_inputs()
    print(jax.jit(kernel)(*tuple(_d.values())))

</pallas_src>

<mosaic_0001>
#map = affine_map<(d0, d1) -> (0)>
#map1 = affine_map<(d0, d1) -> (0, 0)>
module attributes {stable_mosaic.version = 14 : i64} {
  func.func @_seg_body(%arg0: i32, %arg1: i32, %arg2: memref<160000xf32, #tpu.memory_space<hbm>>, %arg3: memref<160000xi32, #tpu.memory_space<hbm>>, %arg4: memref<32x10000xf32, #tpu.memory_space<hbm>>, %arg5: memref<5008xi32, #tpu.memory_space<vmem>>, %arg6: memref<5008xf32, #tpu.memory_space<vmem>>, %arg7: memref<10000xf32, #tpu.memory_space<vmem>>) attributes {dimension_semantics = [#tpu.dimension_semantics<core_parallel>, #tpu.dimension_semantics<subcore_parallel>], iteration_bounds = array<i64: 2, 16>, scalar_prefetch = 0 : i64, scratch_operands = 3 : i64, tpu.core_type = #tpu.core_type<sc_vector_subcore>, window_params = [{transform_indices = #map}, {transform_indices = #map}, {transform_indices = #map1}]} {
    %mul3A = arith.constant 16 : i32
    %mul3A_0 = arith.muli %arg0, %mul3A : i32
    %add3A = arith.addi %mul3A_0, %arg1 : i32
    %mul3A_1 = arith.constant 5000 : i32
    %mul3A_2 = arith.muli %add3A, %mul3A_1 : i32
    "tpu.region"() ({
      %run_scoped3A = tpu.sem_alloc : memref<!tpu.dma_semaphore, #tpu.memory_space<semaphore_mem>>
      %dma_start3A = arith.constant 0 : i32
      %dma_start3A_14 = tpu.memref_slice %arg5[%dma_start3A] : memref<5008xi32, #tpu.memory_space<vmem>> -> memref<5000xi32, #tpu.memory_space<vmem>>
      %dma_start3A_15 = tpu.memref_slice %arg3[%mul3A_2] : memref<160000xi32, #tpu.memory_space<hbm>> -> memref<5000xi32, #tpu.memory_space<hbm>>
      %dma_start3A_16 = arith.constant 0 : i32
      %dma_start3A_17 = tpu.memref_slice %arg5[%dma_start3A_16] : memref<5008xi32, #tpu.memory_space<vmem>> -> memref<5000xi32, #tpu.memory_space<vmem>>
      %dma_start3A_18 = tpu.memref_slice %arg3[%mul3A_2] : memref<160000xi32, #tpu.memory_space<hbm>> -> memref<5000xi32, #tpu.memory_space<hbm>>
      tpu.enqueue_dma source(%dma_start3A_18 : memref<5000xi32, #tpu.memory_space<hbm>>) target(%dma_start3A_17 : memref<5000xi32, #tpu.memory_space<vmem>>) target_semaphore(%run_scoped3A : memref<!tpu.dma_semaphore, #tpu.memory_space<semaphore_mem>>)
      %dma_wait3A = arith.constant 0 : i32
      %dma_wait3A_19 = tpu.memref_slice %arg5[%dma_wait3A] : memref<5008xi32, #tpu.memory_space<vmem>> -> memref<5000xi32, #tpu.memory_space<vmem>>
      %dma_wait3A_20 = tpu.memref_slice %arg3[%mul3A_2] : memref<160000xi32, #tpu.memory_space<hbm>> -> memref<5000xi32, #tpu.memory_space<hbm>>
      %dma_wait3A_21 = arith.constant 0 : i32
      %dma_wait3A_22 = tpu.memref_slice %arg5[%dma_wait3A_21] : memref<5008xi32, #tpu.memory_space<vmem>> -> memref<5000xi32, #tpu.memory_space<vmem>>
      %dma_wait3A_23 = tpu.memref_slice %arg3[%mul3A_2] : memref<160000xi32, #tpu.memory_space<hbm>> -> memref<5000xi32, #tpu.memory_space<hbm>>
      tpu.wait_dma2 semaphore(%run_scoped3A : memref<!tpu.dma_semaphore, #tpu.memory_space<semaphore_mem>>) src(%dma_wait3A_23 : memref<5000xi32, #tpu.memory_space<hbm>>) dst(%dma_wait3A_22 : memref<5000xi32, #tpu.memory_space<vmem>>)
      tpu.yield
    }) : () -> ()
    "tpu.region"() ({
      %run_scoped3A = tpu.sem_alloc : memref<!tpu.dma_semaphore, #tpu.memory_space<semaphore_mem>>
      %dma_start3A = arith.constant 0 : i32
      %dma_start3A_14 = tpu.memref_slice %arg6[%dma_start3A] : memref<5008xf32, #tpu.memory_space<vmem>> -> memref<5000xf32, #tpu.memory_space<vmem>>
      %dma_start3A_15 = tpu.memref_slice %arg2[%mul3A_2] : memref<160000xf32, #tpu.memory_space<hbm>> -> memref<5000xf32, #tpu.memory_space<hbm>>
      %dma_start3A_16 = arith.constant 0 : i32
      %dma_start3A_17 = tpu.memref_slice %arg6[%dma_start3A_16] : memref<5008xf32, #tpu.memory_space<vmem>> -> memref<5000xf32, #tpu.memory_space<vmem>>
      %dma_start3A_18 = tpu.memref_slice %arg2[%mul3A_2] : memref<160000xf32, #tpu.memory_space<hbm>> -> memref<5000xf32, #tpu.memory_space<hbm>>
      tpu.enqueue_dma source(%dma_start3A_18 : memref<5000xf32, #tpu.memory_space<hbm>>) target(%dma_start3A_17 : memref<5000xf32, #tpu.memory_space<vmem>>) target_semaphore(%run_scoped3A : memref<!tpu.dma_semaphore, #tpu.memory_space<semaphore_mem>>)
      %dma_wait3A = arith.constant 0 : i32
      %dma_wait3A_19 = tpu.memref_slice %arg6[%dma_wait3A] : memref<5008xf32, #tpu.memory_space<vmem>> -> memref<5000xf32, #tpu.memory_space<vmem>>
      %dma_wait3A_20 = tpu.memref_slice %arg2[%mul3A_2] : memref<160000xf32, #tpu.memory_space<hbm>> -> memref<5000xf32, #tpu.memory_space<hbm>>
      %dma_wait3A_21 = arith.constant 0 : i32
      %dma_wait3A_22 = tpu.memref_slice %arg6[%dma_wait3A_21] : memref<5008xf32, #tpu.memory_space<vmem>> -> memref<5000xf32, #tpu.memory_space<vmem>>
      %dma_wait3A_23 = tpu.memref_slice %arg2[%mul3A_2] : memref<160000xf32, #tpu.memory_space<hbm>> -> memref<5000xf32, #tpu.memory_space<hbm>>
      tpu.wait_dma2 semaphore(%run_scoped3A : memref<!tpu.dma_semaphore, #tpu.memory_space<semaphore_mem>>) src(%dma_wait3A_23 : memref<5000xf32, #tpu.memory_space<hbm>>) dst(%dma_wait3A_22 : memref<5000xf32, #tpu.memory_space<vmem>>)
      tpu.yield
    }) : () -> ()
    %scan3A = arith.constant 0 : i32
    %scan3A_3 = arith.constant 0 : i32
    %scan3A_4 = arith.constant 625 : i32
    %scan3A_5 = arith.addi %scan3A_3, %scan3A_4 : i32
    %scan3A_6 = arith.constant 1 : i32
    scf.for %scan3A_14 = %scan3A_3 to %scan3A_5 step %scan3A_6  : i32 {
      %broadcast_in_dim3A = arith.constant 0.000000e+00 : f32
      %broadcast_in_dim3A_15 = vector.broadcast %broadcast_in_dim3A : f32 to vector<16xf32>
      %mul3A_16 = arith.constant 16 : i32
      %mul3A_17 = arith.muli %scan3A_14, %mul3A_16 : i32
      %swap3A = arith.index_cast %mul3A_17 : i32 to index
      %swap3A_18 = tpu.vector_load %arg7[%swap3A] {strides = array<i32>} : memref<10000xf32, #tpu.memory_space<vmem>>, vector<16xf32>,
      tpu.vector_store %arg7[%swap3A], %broadcast_in_dim3A_15 {strides = array<i32>} : memref<10000xf32, #tpu.memory_space<vmem>>, vector<16xf32>,
    }
    %scan3A_7 = arith.constant 625 : i32
    %scan3A_8 = arith.constant 0 : i32
    %scan3A_9 = arith.constant 0 : i32
    %scan3A_10 = arith.constant 313 : i32
    %scan3A_11 = arith.addi %scan3A_9, %scan3A_10 : i32
    %scan3A_12 = arith.constant 1 : i32
    scf.for %scan3A_14 = %scan3A_9 to %scan3A_11 step %scan3A_12  : i32 {
      %mul3A_15 = arith.constant 16 : i32
      %mul3A_16 = arith.muli %scan3A_14, %mul3A_15 : i32
      %get3A = arith.index_cast %mul3A_16 : i32 to index
      %get3A_17 = tpu.vector_load %arg5[%get3A] {strides = array<i32>} : memref<5008xi32, #tpu.memory_space<vmem>>, vector<16xi32>,
      %get3A_18 = arith.index_cast %mul3A_16 : i32 to index
      %get3A_19 = tpu.vector_load %arg6[%get3A_18] {strides = array<i32>} : memref<5008xf32, #tpu.memory_space<vmem>>, vector<16xf32>,
      %iota3A = tpu.iota {dimensions = array<i32: 0>} : vector<16xi32>
      %add3A_20 = vector.broadcast %mul3A_16 : i32 to vector<16xi32>
      %add3A_21 = arith.addi %add3A_20, %iota3A : vector<16xi32>
      %lt3A = arith.constant 5000 : i32
      %lt3A_22 = vector.broadcast %lt3A : i32 to vector<16xi32>
      %lt3A_23 = arith.cmpi slt, %add3A_21, %lt3A_22 : vector<16xi32>
      tpu.vector_store_idx %arg7[%get3A_17], %get3A_19 masked %lt3A_23 {add = true} : memref<10000xf32, #tpu.memory_space<vmem>>[vector<16xi32>], vector<16xf32>, vector<16xi1>
    }
    %scan3A_13 = arith.constant 313 : i32
    "tpu.region"() ({
      %run_scoped3A = tpu.sem_alloc : memref<!tpu.dma_semaphore, #tpu.memory_space<semaphore_mem>>
      %dma_start3A = arith.constant 0 : i32
      %dma_start3A_14 = tpu.memref_slice %arg4[%add3A, %dma_start3A] : memref<32x10000xf32, #tpu.memory_space<hbm>> -> memref<1x10000xf32, #tpu.memory_space<hbm>>
      %dma_start3A_15 = tpu.memref_squeeze %dma_start3A_14 : memref<1x10000xf32, #tpu.memory_space<hbm>> -> memref<10000xf32, #tpu.memory_space<hbm>>
      %dma_start3A_16 = arith.constant 0 : i32
      %dma_start3A_17 = tpu.memref_slice %arg4[%add3A, %dma_start3A_16] : memref<32x10000xf32, #tpu.memory_space<hbm>> -> memref<1x10000xf32, #tpu.memory_space<hbm>>
      %dma_start3A_18 = tpu.memref_squeeze %dma_start3A_17 : memref<1x10000xf32, #tpu.memory_space<hbm>> -> memref<10000xf32, #tpu.memory_space<hbm>>
      tpu.enqueue_dma source(%arg7 : memref<10000xf32, #tpu.memory_space<vmem>>) target(%dma_start3A_18 : memref<10000xf32, #tpu.memory_space<hbm>>) target_semaphore(%run_scoped3A : memref<!tpu.dma_semaphore, #tpu.memory_space<semaphore_mem>>)
      %dma_wait3A = arith.constant 0 : i32
      %dma_wait3A_19 = tpu.memref_slice %arg4[%add3A, %dma_wait3A] : memref<32x10000xf32, #tpu.memory_space<hbm>> -> memref<1x10000xf32, #tpu.memory_space<hbm>>
      %dma_wait3A_20 = tpu.memref_squeeze %dma_wait3A_19 : memref<1x10000xf32, #tpu.memory_space<hbm>> -> memref<10000xf32, #tpu.memory_space<hbm>>
      %dma_wait3A_21 = arith.constant 0 : i32
      %dma_wait3A_22 = tpu.memref_slice %arg4[%add3A, %dma_wait3A_21] : memref<32x10000xf32, #tpu.memory_space<hbm>> -> memref<1x10000xf32, #tpu.memory_space<hbm>>
      %dma_wait3A_23 = tpu.memref_squeeze %dma_wait3A_22 : memref<1x10000xf32, #tpu.memory_space<hbm>> -> memref<10000xf32, #tpu.memory_space<hbm>>
      tpu.wait_dma2 semaphore(%run_scoped3A : memref<!tpu.dma_semaphore, #tpu.memory_space<semaphore_mem>>) src(%arg7 : memref<10000xf32, #tpu.memory_space<vmem>>) dst(%dma_wait3A_23 : memref<10000xf32, #tpu.memory_space<hbm>>)
      tpu.yield
    }) : () -> ()
    return
  }
}

module attributes {stable_mosaic.version = 14 : i64} {
  func.func @_mv_body(%arg0: i32, %arg1: memref<1x256xf32, #tpu.memory_space<vmem>>, %arg2: memref<1x1xf32, #tpu.memory_space<vmem>>, %arg3: memref<16000x256xf32, #tpu.memory_space<vmem>>, %arg4: memref<160000xf32, #tpu.memory_space<vmem>>) attributes {dimension_semantics = [#tpu.dimension_semantics<arbitrary>], iteration_bounds = array<i64: 10>, scalar_prefetch = 0 : i64, scratch_operands = 0 : i64, tpu.core_type = #tpu.core_type<tc>, window_params = [{pipeline_mode = #tpu.pipeline_mode<synchronous>, transform_indices = @transform_0, window_bounds = array<i64: 1, 256>}, {pipeline_mode = #tpu.pipeline_mode<synchronous>, transform_indices = @transform_1, window_bounds = array<i64: 1, 1>}, {transform_indices = @transform_2, window_bounds = array<i64: 16000, 256>}, {pipeline_mode = #tpu.pipeline_mode<synchronous>, transform_indices = @transform_3, window_bounds = array<i64: 160000>}]} {
    %get3A = arith.constant 0 : index
    %get3A_0 = arith.constant 0 : index
    %get3A_1 = vector.load %arg1[%get3A, %get3A_0] : memref<1x256xf32, #tpu.memory_space<vmem>>, vector<1x256xf32>
    %get3A_2 = arith.constant 0 : index
    %get3A_3 = arith.constant 0 : index
    %get3A_4 = vector.load %arg3[%get3A_2, %get3A_3] : memref<16000x256xf32, #tpu.memory_space<vmem>>, vector<16000x256xf32>
    %dot_general3A = arith.constant dense<0.000000e+00> : vector<1x16000xf32>
    %dot_general3A_5 = tpu.matmul %get3A_1, %get3A_4, %dot_general3A {dimension_numbers = #tpu.dot_dimension_numbers<[1], [1], [0], [0], [0, 0, 1, 0], [], []>, transpose_lhs_hint = false} : vector<1x256xf32>, vector<16000x256xf32>, vector<1x16000xf32> -> vector<1x16000xf32>
    %get3A_6 = arith.constant 0 : index
    %get3A_7 = arith.constant 0 : index
    %get3A_8 = vector.load %arg2[%get3A_6, %get3A_7] : memref<1x1xf32, #tpu.memory_space<vmem>>, vector<1x1xf32>
    %add3A = vector.broadcast %get3A_8 : vector<1x1xf32> to vector<1x16000xf32>
    %add3A_9 = arith.addf %dot_general3A_5, %add3A : vector<1x16000xf32>
    %reshape3A = vector.shape_cast %add3A_9 : vector<1x16000xf32> to vector<16000xf32>
    %mul3A = arith.constant 16000 : i32
    %mul3A_10 = arith.muli %arg0, %mul3A : i32
    %swap3A = arith.index_cast %mul3A_10 : i32 to index
    %swap3A_11 = vector.load %arg4[%swap3A] : memref<160000xf32, #tpu.memory_space<vmem>>, vector<16000xf32>
    tpu.vector_store %arg4[%swap3A], %reshape3A {strides = array<i32>} : memref<160000xf32, #tpu.memory_space<vmem>>, vector<16000xf32>,
    return
  }
  func.func @transform_0(%arg0: i32) -> (i32, i32) {
    %c0_i32 = arith.constant 0 : i32
    %c0_i32_0 = arith.constant 0 : i32
    %c0_i32_1 = arith.constant 0 : i32
    return %c0_i32, %c0_i32_0 : i32, i32
  }
  func.func @transform_1(%arg0: i32) -> (i32, i32) {
    %c0_i32 = arith.constant 0 : i32
    %c0_i32_0 = arith.constant 0 : i32
    %c0_i32_1 = arith.constant 0 : i32
    return %c0_i32, %c0_i32_0 : i32, i32
  }
  func.func @transform_2(%arg0: i32) -> (i32, i32) {
    %c0_i32 = arith.constant 0 : i32
    %c0_i32_0 = arith.constant 0 : i32
    return %arg0, %c0_i32 : i32, i32
  }
  func.func @transform_3(%arg0: i32) -> i32 {
    %c0_i32 = arith.constant 0 : i32
    %c0_i32_0 = arith.constant 0 : i32
    return %c0_i32 : i32
  }
}

module attributes {stable_mosaic.version = 14 : i64} {
  func.func @_red_body(%arg0: memref<32x10000xf32, #tpu.memory_space<vmem>>, %arg1: memref<1x10000xf32, #tpu.memory_space<vmem>>) attributes {dimension_semantics = [], scalar_prefetch = 0 : i64, scratch_operands = 0 : i64, tpu.core_type = #tpu.core_type<tc>} {
    %get3A = arith.constant 0 : index
    %get3A_0 = arith.constant 0 : index
    %get3A_1 = vector.load %arg0[%get3A, %get3A_0] : memref<32x10000xf32, #tpu.memory_space<vmem>>, vector<32x10000xf32>
    %reduce_sum3A = arith.constant dense<0.000000e+00> : vector<10000xf32>
    %reduce_sum3A_2 = vector.multi_reduction <add>, %get3A_1, %reduce_sum3A [0] : vector<32x10000xf32> to vector<10000xf32>
    %broadcast_in_dim3A = vector.shape_cast %reduce_sum3A_2 : vector<10000xf32> to vector<1x10000xf32>
    %swap3A = arith.constant 0 : index
    %swap3A_3 = arith.constant 0 : index
    %swap3A_4 = vector.load %arg1[%swap3A, %swap3A_3] : memref<1x10000xf32, #tpu.memory_space<vmem>>, vector<1x10000xf32>
    tpu.vector_store %arg1[%swap3A, %swap3A_3], %broadcast_in_dim3A {strides = array<i32>} : memref<1x10000xf32, #tpu.memory_space<vmem>>, vector<1x10000xf32>,
    return
  }
}

</mosaic_0001>

<sc_bundles>
// kernel: kernel.5.cloned.1.call-start
scs
__scs_entry_jumppad:
0x0: {  	(pc) =	sbr.rel $0x88, $3  }
0x1: {  	(tag) =	ssettag $0x0;
	lr =	simm.s32 $0x1  }
0x2: {  	[smem:$0x3F9D] =	sst lr;
	_ =	strace $0xD0000000  }
0x3: {  	_ = 	snop  }
0x4: {  	_ = 	snop  }
0x5: {  	_ = 	snop  }
0x6: {  	_ = 	snop  }
0x7: {  	_ = 	snop  }
__scs_overlays_trampoline_lowered:
0x8: {  	[smem:$0x3FAC] =	sst s0  }
0x9: {  	[smem:$0x3FAD] =	sst s1  }
0xa: {  	[smem:$0x3FAE] =	sst s2  }
0xb: {  	[smem:$0x3FAF] =	sst s3  }
0xc: {  	[smem:$0x3FB0] =	sst s4  }
0xd: {  	[smem:$0x3FB1] =	sst s5  }
0xe: {  	[smem:$0x3FB2] =	sst s6  }
0xf: {  	[smem:$0x3FB3] =	sst s7  }
0x10: {  	[smem:$0x3FB4] =	sst s8  }
0x11: {  	[smem:$0x3FB5] =	sst s9;
	s0 =	simm.s32 @!p0 $0x0  }
0x12: {  	s1 =	sld [smem:$0x3F9B];
	s0 =	simm.s32 @p0 $0x1  }
0x13: {  	[smem:$0x3FB6] =	sst s0;
	s0 =	simm.s32 @!p1 $0x0  }
0x14: {  	s2 =	sld [smem:$0x3F9A];
	s0 =	simm.s32 @p1 $0x1  }
0x15: {  	[smem:$0x3FB7] =	sst s0;
	s0 =	simm.s32 @!p2 $0x0  }
0x16: {  	s3 =	sld [smem:$0x3FDB];
	s0 =	simm.s32 @p2 $0x1  }
0x17: {  	s4 =	simm.s32 $0x1BF5;
	[smem:$0x3FB9] =	sst s0  }
0x18: {  	s0 =	sld [smem:$0x3F9C];
	_ =	swait.ge [sflag:s4], $0x0  }
0x19: {  	s7 =	sld [smem:$0x3F9D]  }
0x1a: {  	s8 =	sadd.s32 $0xFFFFE003, lr  }
0x1b: {  	s9 =	sadd.s32 $0xFFFFFEF7, lr;
	s5 =	simm.s32 $0xFFFFFFFF;
	p2 =	slt.u32 s8, $0xFFFFF086  }
0x1c: {  	p1 =	slt.u32 s9, $0xF7A;
	s5 =	simm.s32 @!p2 $0x0  }
0x1d: {  	s5 =	simm.s32 @p1 $0x1;
	p0 =	seq.s32 s7, s2  }
0x1e: {  	s7 =	smul.u32 @!p0 $0xF7A, s2;
	p2 =	seq.s32 @!p0 s5, $0x0  }
0x1f: {  	s9 =	smul.u32 $0xF7A, s1;
	s8 =	simm.s32 @!p0 $0x1BF5;
	p2 =	por !p2, p0  }
0x20: {  	[sflag:s8] =	ssyncset.s32 @!p0 $0xFFFFF086;
	s6 =	sadd.s32 @!p0 s3, s7;
	s7 =	simm.s32 @!p0 $0x108  }
0x21: {  	s3 =	sadd.s32 s3, s9;
	s6 =	sadd.s32 @!p0 $0x88, s6;
	s7 =	simm.s32 @p2 $0x1082  }
0x22: {  	[simem:s7], [sflag:s8] =	dma.local @!p0 [hbm:s6], $0xF7A  }
0x23: {  	s9 =	sor.u32 $0xD0000000, s2;
	s6 =	simm.s32 $0x108;
	_ =	swait.ge @!p0 [sflag:s8], $0x0  }
0x24: {  	s3 =	sadd.s32 $0x88, s3;
	s6 =	simm.s32 @!p1 $0x1082;
	[sflag:s4] =	ssyncset.s32 $0xFFFFF086  }
0x25: {  	[simem:s6], [sflag:s4] =	dma.local [hbm:s3], $0xF7A  }
0x26: {  	[smem:$0x3F9D] =	sst s1;
	(tag) =	ssettag s2;
	_ =	strace s9  }
0x27: {  	s1 =	sld [smem:$0x3FAD]  }
0x28: {  	s2 =	sld [smem:$0x3FAE]  }
0x29: {  	s4 =	sld [smem:$0x3FB0]  }
0x2a: {  	p0 =	seq.s32 s5, $0x0;
	s5 =	sld [smem:$0x3FB1]  }
0x2b: {  	s6 =	sld [smem:$0x3FB2]  }
0x2c: {  	s7 =	sld [smem:$0x3FB3]  }
0x2d: {  	s3 =	simm.s32 $0x108;
	s8 =	sld [smem:$0x3FB4]  }
0x2e: {  	s3 =	simm.s32 @!p0 $0x1082;
	s9 =	sld [smem:$0x3FB5]  }
0x2f: {  	lr =	sadd.s32 s0, s3;
	s0 =	sld [smem:$0x3FAC]  }
0x30: {  	s3 =	sld [smem:$0x3FAF]  }
0x31: {  	[smem:$0x3FB8] =	sst s10  }
0x32: {  	s10 =	sld [smem:$0x3FB6];
	_ =	sdelay $0x3  }
0x33: {  	p0 =	seq.s32 s10, $0x1;
	s10 =	sld [smem:$0x3FB8];
	_ =	sdelay $0x3  }
0x34: {  	[smem:$0x3FB8] =	sst s10  }
0x35: {  	s10 =	sld [smem:$0x3FB7];
	_ =	sdelay $0x3  }
0x36: {  	p1 =	seq.s32 s10, $0x1;
	s10 =	sld [smem:$0x3FB8];
	_ =	sdelay $0x3  }
0x37: {  	[smem:$0x3FB8] =	sst s10  }
0x38: {  	s10 =	sld [smem:$0x3FB9]  }
0x39: {  	_ = 	snop;
	(pc) =	sbr.ind lr, $3  }
0x3a: {  	_ = 	snop  }
0x3b: {  	_ = 	snop  }
0x3c: {  	p2 =	seq.s32 s10, $0x1;
	s10 =	sld [smem:$0x3FB8]  }
0x3d: {  	_ =	shalt  }
0x3e: {  	_ =	shalt  }
0x3f: {  	_ =	shalt  }
0x40: {  	_ =	shalt  }
0x41: {  	_ =	shalt  }
0x42: {  	_ =	shalt  }
0x43: {  	_ =	shalt  }
0x44: {  	_ =	shalt  }
0x45: {  	_ =	shalt  }
0x46: {  	_ =	shalt  }
0x47: {  	_ =	shalt  }
0x48: {  	_ =	shalt  }
0x49: {  	_ =	shalt  }
0x4a: {  	_ =	shalt  }
0x4b: {  	_ =	shalt  }
0x4c: {  	_ =	shalt  }
0x4d: {  	_ =	shalt  }
0x4e: {  	_ =	shalt  }
0x4f: {  	_ =	shalt  }
0x50: {  	_ =	shalt  }
0x51: {  	_ =	shalt  }
0x52: {  	_ =	shalt  }
0x53: {  	_ =	shalt  }
0x54: {  	_ =	shalt  }
0x55: {  	_ =	shalt  }
0x56: {  	_ =	shalt  }
0x57: {  	_ =	shalt  }
0x58: {  	_ =	shalt  }
0x59: {  	_ =	shalt  }
0x5a: {  	_ =	shalt  }
0x5b: {  	_ =	shalt  }
0x5c: {  	_ =	shalt  }
0x5d: {  	_ =	shalt  }
0x5e: {  	_ =	shalt  }
0x5f: {  	_ =	shalt  }
0x60: {  	_ =	shalt  }
0x61: {  	_ =	shalt  }
0x62: {  	_ =	shalt  }
0x63: {  	_ =	shalt  }
0x64: {  	_ =	shalt  }
0x65: {  	_ =	shalt  }
0x66: {  	_ =	shalt  }
0x67: {  	_ =	shalt  }
0x68: {  	_ =	shalt  }
0x69: {  	_ =	shalt  }
0x6a: {  	_ =	shalt  }
0x6b: {  	_ =	shalt  }
0x6c: {  	_ =	shalt  }
0x6d: {  	_ =	shalt  }
0x6e: {  	_ =	shalt  }
0x6f: {  	_ =	shalt  }
0x70: {  	_ =	shalt  }
0x71: {  	_ =	shalt  }
0x72: {  	_ =	shalt  }
0x73: {  	_ =	shalt  }
0x74: {  	_ =	shalt  }
0x75: {  	_ =	shalt  }
0x76: {  	_ =	shalt  }
0x77: {  	_ =	shalt  }
0x78: {  	_ =	shalt  }
0x79: {  	_ =	shalt  }
0x7a: {  	_ =	shalt  }
0x7b: {  	_ =	shalt  }
0x7c: {  	_ =	shalt  }
0x7d: {  	_ =	shalt  }
0x7e: {  	_ =	shalt  }
0x7f: {  	_ =	shalt  }
0x80: {  	_ =	shalt  }
0x81: {  	_ =	shalt  }
0x82: {  	_ =	shalt  }
0x83: {  	_ =	shalt  }
0x84: {  	_ =	shalt  }
0x85: {  	_ =	shalt  }
0x86: {  	_ =	shalt  }
0x87: {  	_ =	shalt  }
.Lfunc_end0:
.L_simem_size_0:
called_computation_lowered:
.L_overlay_start_0:
0x88: {  	s2 =	sld [smem:$0x3FD9]  }
0x89: {  	s3 =	sld [smem:$0x3FFE];
	_ =	sdelay $0x1  }
0x8a: {  	s1 =	srdreg.scid  }
0x8b: {  	s0 =	sand.u32 $0x1, s1  }
0x8c: {  	s17 =	sshll.u32 s0, $0xA;
	s2 =	sadd.s32 s3, s2  }
0x8d: {  	s2 =	sadd.s32 s2, s17  }
0x8e: {  	[smem:$0x3FC4] =	sst s2  }
0x8f: {  	_ = 	snop  }
0x90: {  	s2 =	sld [smem:$0x3FC8];
	(tm) =	ssettm $0x1  }
0x91: {  	s18 =	sld [smem:$0x3FFB];
	_ =	sdelay $0x3  }
0x92: {  	_ =	strace s18  }
0x93: {  	s3 =	sld [smem:$0x3FFC];
	_ =	sdelay $0x3  }
0x94: {  	_ =	strace s3  }
0x95: {  	s3 =	sld [smem:$0x3FFD];
	_ =	sdelay $0x3  }
0x96: {  	_ =	strace s3  }
0x97: {  	_ =	strace $0x8FFFFFFF  }
0x98: {  	s19 =	sld [smem:$0x3FDB];
	_ =	sdelay $0x1  }
0x99: {  	s4 =	simm.s32 $_scs_section_size  }
0x9a: {  	s5 =	simm.s32 $_size__tile_overlayer_lowered;
	s6 =	simm.s32 $_tile_overlayer_lowered  }
0x9b: {  	s22 =	simm.s32 $0x1BFF;
	s21 =	sshll.u32 s6, $0x1;
	s3 =	sadd.s32 s4, s19  }
0x9c: {  	s7 =	simm.s32 $0x0;
	s20 =	sshll.u32 s5, $0x1;
	s5 =	sadd.s32 s21, s3  }
0x9d: {  	[timem:s7], [sflag:s22] =	dma.local [hbm:s5], s20  }
0x9e: {  	_ =	swait.ge [sflag:s22], s20  }
0x9f: {  	s4 =	ssub.s32 $0x0, s20;
	[sflag:s22] =	ssyncset.done $0x0  }
0xa0: {  	[sflag:s22] =	ssyncadd.s32 s4;
	_ =	sdelay $0x1  }
0xa1: {  	s23 =	simm.s32 $0x1B8B  }
0xa2: {  	_ =	swait.ge [sflag:s23], $0x1  }
0xa3: {  	[sflag:s23] =	ssyncset.done $0x0  }
0xa4: {  	s25 =	simm.s32 $0x1B8E;
	s24 =	sld [smem:$0x3FFE];
	[sflag:s23] =	ssyncadd.s32 $0xFFFFFFFF  }
0xa5: {  	s26 =	simm.s32 $execute0_lowered;
	[smem:$0x3FD2] =	sst s25  }
0xa6: {  	s5 =	sshll.u32 s26, $0x1;
	_ =	strace $0x80000046;
	[dreg:$0x1] =	wrdreg $0xFFFFFFFF  }
0xa7: {  	s28 =	simm.s32 $_size_execute0_lowered;
	s3 =	sadd.s32 s3, s5;
	[dreg:$0x0] =	wrdreg $0x0  }
0xa8: {  	s5 =	sshll.u32 s28, $0x1;
	[dreg:$0x2] =	wrdreg s3  }
0xa9: {  	[dreg:$0x3] =	wrdreg s5  }
0xaa: {  	[dreg:$0x4] =	wrdreg $0xC0  }
0xab: {  	_ =	task [dreg:s7], $0x5FFFF  }
0xac: {  	[dreg:$0x1] =	wrdreg $0xFFFFFFFF  }
0xad: {  	[dreg:$0x0] =	wrdreg $0x60  }
0xae: {  	[dreg:$0x2] =	wrdreg s24  }
0xaf: {  	[dreg:$0x3] =	wrdreg s2  }
0xb0: {  	[dreg:$0x4] =	wrdreg $0x9  }
0xb1: {  	_ =	task.clear_ibuf [dreg:s7], $0x5FFFF;
	_ =	strace $0x90000046  }
0xb2: {  	s29 =	simm.s32 $0x9;
	_ =	strace $0x80000048  }
0xb3: {  	_ =	swait.ge [sflag:s29], $0x1  }
0xb4: {  	[sflag:s29] =	ssyncadd.s32 $0xFFFFFFFF  }
0xb5: {  	_ =	strace $0x90000048  }
0xb6: {  	_ =	sfence  }
0xb7: {  	s30 =	sld [smem:$0x0];
	_ =	sdelay $0x2  }
0xb8: {  	s31 =	sshll.u32 s1, $0xD;
	s1 =	sshrl.u32 s1, $0x2  }
0xb9: {  	s3 =	sand.u32 $0x4000, s31;
	s1 =	sadd.s32 s1, s30  }
0xba: {  	s0 =	sor.u32 s3, s0;
	s1 =	sshll.u32 s1, $0x11  }
0xbb: {  	s0 =	sor.u32 s1, s0  }
0xbc: {  	s0 =	sadd.s32 $0x8F2B, s0  }
0xbd: {  	[sflag:s0] =	ssyncadd.remote.s32 $0x1  }
0xbe: {  	_ =	sfence.sel $0xFFFF  }
0xbf: {  	[dreg:$0x0] =	wrdreg $0xFFFFFFFF;
	(pc) =	sbr.abs _section_cstart, $3  }
0xc0: {  	[dreg:$0x1] =	wrdreg $0xFFFFFFFF  }
0xc1: {  	_ =	task.clear_ibuf [dreg:s7], $0x2FFFF;
	_ =	strace $0x9FFFFFFF  }
0xc2: {  	(tm) =	ssettm $0x7FFFFFFF  }
0xc3: {  	_ =	shalt  }
tec
execute0_lowered:
.L_overlay_start_1:
0x0: {  	(tag) =	ssettag $0x1  }
0x1: {  	s4 =	rddreg [dreg:$0x0]  }
0x2: {  	s0 =	srdreg.scid;
	s5 =	rddreg [dreg:$0x1]  }
0x3: {  	s2 =	simm.s32 $0x0;
	s10 =	simm.s32 $0x80;
	s3 =	sand.u32 $0x1, s0  }
0x4: {  	s11 =	simm.s32 $0x400;
	s0 =	stileid.u32;
	s1 =	sshll.u32 s3, $0x4  }
0x5: {  	s12 =	simm.s32 $0x0;
	[smem:$0x7FF] =	sst s2;
	s6 =	sor.u32 s0, s1  }
0x6: {  	s8 =	sshll.u32 s0, $0x7;
	s7 =	sshrl.u32 s6, $0x3;
	s6 =	smul.u32 $0x271, s6  }
0x7: {  	s3 =	ssub.s32 $0x2, s3;
	s1 =	rddreg [dreg:$0x2];
	s7 =	smul.u32 $0x13C00, s7  }
0x8: {  	s8 =	sand.u32 $0x380, s8;
	_ =	strace $0x80000047;
	s9 =	sshrl.u32 s3, $0x1  }
0x9: {  	v0 =	vlaneseq.u32;
	s9 =	ssub.s32 s3, s9;
	s31 =	sadd.s32 s6, s4;
	s7 =	sor.u32 s8, s7  }
0xa: {  	v1 =	vmul.u32 $0xFFFFFFFF, v0;
	s3 =	sadd.s32 s5, s6;
	s6 =	smax.u32 s9, $0x1;
	s7 =	sshrl.u32 s7, $0x3  }
0xb: {  	s9 =	simm.s32 $0x2800;
	s8 =	simm.s32 $0x1400;
	s7 =	sadd.s32 s7, s4  }
0xc: {  	v0 =	vimm.f32 $0.0e+00;
	v1 =	vadd.s32 $0x1388, v1;
	s4 =	sadd.s32 $0xA00, s31;
	s5 =	sadd.s32 $0x5A00, s7;
	s7 =	simm.s32 $0x1  }
.LBB2_1:
0xd: {  	[tilespmem:s2], [sflag:$0x1] =	stream.linear.gather [hbm4b:s3+s2], $0x1388, $0x38;
	[tilespmem:$0x4F80] =	vst v63  }
0xe: {  	_ =	swait.ge [sflag:s7], $0x1388  }
0xf: {  	[sflag:s7] =	ssyncset.done $0x0  }
0x10: {  	[sflag:s7] =	ssyncadd.s32 $0xFFFFEC78  }
0x11: {  	[tilespmem:s8], [sflag:$0x1] =	stream.linear.gather [hbm4b:s4+s2], $0x1388, $0x38;
	[tilespmem:$0x4F80] =	vst v63  }
0x12: {  	_ =	swait.ge [sflag:s7], $0x1388  }
0x13: {  	[sflag:s7] =	ssyncset.done $0x0  }
0x14: {  	s13 =	simm.s32 $0x0;
	[sflag:s7] =	ssyncadd.s32 $0xFFFFEC78  }
.LBB2_2:
0x15: {  	p0 =	sne.s32 s13, $0x9C00  }
.Ltmp0:
0x16: {  	_ = 	snop;
	(pc) =	sbr.rel @p0 .LBB2_2-.Ltmp0, $3  }
0x17: {  	_ =	sdelay $0x1  }
0x18: {  	s14 =	sshra.s32 s13, $0x2  }
0x19: {  	s13 =	sadd.s32 $0x40, s13;
	[tilespmem:s14+$0x2800] =	vst v0  }
0x1a: {  	s13 =	simm.s32 $0x0  }
0x1b: {  	v2 =	vld [tilespmem:s13+$0x0]  }
0x1c: {  	v3 =	vmov s13  }
0x1d: {  	s13 =	simm.s32 $0x1400;
	vm0 =	vlt.u32 v3, v1  }
0x1e: {  	v3 =	vld [tilespmem:s13+$0x0];
	_ =	sdelay $0x4  }
0x1f: {  	s14 =	simm.s32 $0x10;
	[tilespmem:v2+s9+$0x0] =	vst.idx.add.f32.msk vm0, v3  }
0x20: {  	s15 =	simm.s32 $0x20;
	s16 =	simm.s32 $0x10;
	v2 =	vld [tilespmem:s14+$0x0]  }
.LBB2_4:
0x21: {  	p0 =	sne.s32 s15, $0x1380;
	v3 =	vmov s14;
	s14 =	smov.u32 s15  }
0x22: {  	s13 =	sadd.s32 $0x10, s13;
	vm0 =	vlt.u32 v3, v1  }
0x23: {  	v3 =	vld [tilespmem:s13+$0x0];
	_ =	sdelay $0x1  }
.Ltmp1:
0x24: {  	(pc) =	sbr.rel @p0 .LBB2_4-.Ltmp1, $3  }
0x25: {  	_ =	sdelay $0x1  }
0x26: {  	s16 =	sadd.s32 $0x10, s16;
	[tilespmem:v2+s9+$0x0] =	vst.idx.add.f32.msk vm0, v3  }
0x27: {  	s15 =	sadd.s32 $0x10, s15;
	v2 =	vld [tilespmem:s16+$0x0]  }
0x28: {  	_ = 	snop  }
0x29: {  	v3 =	vmov s14  }
0x2a: {  	s13 =	sadd.s32 $0x10, s13;
	vm0 =	vlt.u32 v3, v1  }
0x2b: {  	v3 =	vld [tilespmem:s13+$0x0];
	_ =	sdelay $0x2  }
0x2c: {  	s12 =	sadd.s32 $0x1, s12  }
0x2d: {  	p0 =	sne.s32 s12, s6  }
.Ltmp2:
0x2e: {  	[tilespmem:v2+s9+$0x0] =	vst.idx.add.f32.msk vm0, v3;
	(pc) =	sbr.rel @p0 .LBB2_1-.Ltmp2, $4  }
0x2f: {  	[hbm4b:s5+s10] =	stream.strided.scatter [tilespmem:s9], [sflag:$0x1], $0x2780, s11, s10, $0x38;
	[tilespmem:$0x4F80] =	vst v63  }
0x30: {  	_ =	swait.ge [sflag:s7], $0x2780  }
0x31: {  	[sflag:s7] =	ssyncset.done $0x0  }
0x32: {  	[sflag:s7] =	ssyncadd.s32 $0xFFFFD880  }
0x33: {  	_ =	sfence.sel $0x180000  }
0x34: {  	[bflag:$0x0] =	sbarrier.arrive $0xFFFF  }
0x35: {  	p0 =	sne.s32 s0, $0x0;
	_ =	strace $0x90000047  }
0x36: {  	s0 =	sadd.s32 @!p0 $0x100000, s1;
	[bflag:$0x2] =	sbarrier.arrive $0xFFFF  }
0x37: {  	[sflag:s0] =	ssyncadd.tile.s32 @!p0 $0x1;
	_ =	shalt  }
.Lfunc_end2:
_tile_overlayer_lowered:
.L_overlay_start_2:
0x38: {  	(tag) =	ssettag $0x2  }
0x39: {  	s0 =	rddreg [dreg:$0x0];
	s2 =	stileid.u32  }
0x3a: {  	s1 =	rddreg [dreg:$0x1];
	p0 =	sne.s32 s2, $0x0  }
0x3b: {  	s3 =	rddreg [dreg:$0x2];
	[bflag:$0x3] =	sbarrier.arrive $0xFFFF;
	s2 =	simm.s32 @!p0 $0x1C01  }
0x3c: {  	[timem:s3], [sflag:s2] =	dma.local @!p0 [hbm:s0], s1  }
0x3d: {  	s0 =	simm.s32 @!p0 $0x1  }
0x3e: {  	_ =	swait.ge @!p0 [sflag:s0], s1  }
0x3f: {  	s1 =	ssub.s32 @!p0 $0x0, s1;
	[sflag:s0] =	ssyncset.done @!p0 $0x0  }
0x40: {  	[sflag:s0] =	ssyncadd.s32 @!p0 s1  }
0x41: {  	[bflag:$0x3] =	sbarrier.arrive $0xFFFF  }
0x42: {  	_ =	shalt  }

</sc_bundles>
